<compile_context>
chip_gen: v7x
topology: tpu7x:2x2x1
jax: 0.10.2.dev20260603
libtpu: 0.0.44.dev20260713+nightly
codegen_flags: <defaults>
</compile_context>

<pallas_src>
import jax
import jax.numpy as jnp
from jax import lax
from jax.experimental import pallas as pl
from jax.experimental.pallas import tpu as pltpu
from jax.experimental.pallas import tpu_sc as plsc

N_NODES = 10000
D = 256
NC = 2
NS = 16
L = 16
N_PAD = 10240
RPS = N_PAD // NS
NH = N_PAD // NC
NHP = NH + 8
WPS = NH // NS
TRASH = N_NODES
E = 160000
K = 32
NBUF = 3
LA = 2
KNB = NBUF * K
E_PAD = 163840
EPS = E_PAD // NS
CPP = 84
NPH = 4
CAP2 = NPH * CPP * K


def _sc_mesh():
    return plsc.VectorSubcoreMesh(
        core_axis_name="c", subcore_axis_name="s",
        num_cores=NC, num_subcores=NS)


_SC_PARAMS = pltpu.CompilerParams(needs_layout_passes=False)


def _deg_kernel_body(edges_hbm, deg_hbm, ev, hist, tmp, acc, sh):
    c = lax.axis_index("c")
    s = lax.axis_index("s")
    zeros = jnp.zeros((L,), jnp.float32)
    ones = jnp.ones((L,), jnp.float32)

    def zhist(i, _):
        hist[pl.ds(i * L, L)] = zeros
        return 0
    lax.fori_loop(0, N_PAD // L, zhist, 0)

    pltpu.sync_copy(edges_hbm.at[c, s], ev)

    def upd(i, _):
        idx = ev[pl.ds(i * L, L)]
        plsc.addupdate_scatter(hist, [idx], ones)
        return 0
    lax.fori_loop(0, EPS // L, upd, 0)

    pltpu.sync_copy(hist, sh.at[s])
    plsc.subcore_barrier()
    col0 = s * RPS

    def zacc(i, _):
        acc[pl.ds(i * L, L)] = zeros
        return 0
    lax.fori_loop(0, RPS // L, zacc, 0)

    def red(t, _):
        pltpu.sync_copy(sh.at[t, pl.ds(col0, RPS)], tmp)

        def add(i, _):
            sl = pl.ds(i * L, L)
            acc[sl] = acc[sl] + tmp[sl]
            return 0
        lax.fori_loop(0, RPS // L, add, 0)
        return 0
    lax.fori_loop(0, NS, red, 0)
    pltpu.sync_copy(acc, deg_hbm.at[c, pl.ds(col0, RPS)])


@jax.jit
def _degrees(edges):
    return pl.kernel(
        _deg_kernel_body,
        out_type=jax.ShapeDtypeStruct((NC, N_PAD), jnp.float32),
        mesh=_sc_mesh(),
        scratch_types=[
            pltpu.VMEM((EPS,), jnp.int32),
            pltpu.VMEM((N_PAD,), jnp.float32),
            pltpu.VMEM((RPS,), jnp.float32),
            pltpu.VMEM((RPS,), jnp.float32),
            pltpu.VMEM_SHARED((NS, N_PAD), jnp.float32),
        ],
        compiler_params=_SC_PARAMS,
    )(edges)


def _bucket_body(edges_hbm, bsrc_hbm, bdst_hbm, cnt_hbm,
                 sv, dv, bsv, bdv, cntv):
    c = lax.axis_index("c")
    s = lax.axis_index("s")
    lo = (1 - c) * NH
    lov = jnp.full((L,), lo, jnp.int32)
    hiv = jnp.full((L,), lo + NH, jnp.int32)
    src_sent = jnp.zeros((L,), jnp.int32)
    dst_sent = jnp.full((L,), NH, jnp.int32)

    def pre(i, _):
        sl = pl.ds(i * L, L)
        bsv[sl] = src_sent
        bdv[sl] = dst_sent
        return 0
    lax.fori_loop(0, CAP2 // L, pre, 0)

    pltpu.sync_copy(edges_hbm.at[0, s], sv)
    pltpu.sync_copy(edges_hbm.at[1, s], dv)

    def scan(i, off):
        sl = pl.ds(i * L, L)
        sj = sv[sl]
        dj = dv[sl]
        m = (dj >= lov) & (dj < hiv)
        plsc.store_compressed(bsv.at[pl.ds(off, L)], sj, mask=m)
        plsc.store_compressed(bdv.at[pl.ds(off, L)], dj - lov, mask=m)
        return off + plsc.all_reduce_population_count(m)[0]
    off = lax.fori_loop(0, EPS // L, scan, jnp.int32(0))

    padded = jnp.maximum(((off + KNB - 1) // KNB) * KNB, KNB)
    cntv[pl.ds(0, L)] = jnp.full((L,), padded, jnp.int32)
    pltpu.sync_copy(cntv, cnt_hbm.at[c, s])
    pltpu.sync_copy(bsv, bsrc_hbm.at[c, s])
    pltpu.sync_copy(bdv, bdst_hbm.at[c, s])


@jax.jit
def _buckets(edges):
    return pl.kernel(
        _bucket_body,
        out_type=(
            jax.ShapeDtypeStruct((NC, NS, CAP2), jnp.int32),
            jax.ShapeDtypeStruct((NC, NS, CAP2), jnp.int32),
            jax.ShapeDtypeStruct((NC, NS, L), jnp.int32),
        ),
        mesh=_sc_mesh(),
        scratch_types=[
            pltpu.VMEM((EPS,), jnp.int32),
            pltpu.VMEM((EPS,), jnp.int32),
            pltpu.VMEM((CAP2,), jnp.int32),
            pltpu.VMEM((CAP2,), jnp.int32),
            pltpu.VMEM((L,), jnp.int32),
        ],
        compiler_params=_SC_PARAMS,
    )(edges)


def _prop_body(y_hbm, bsrc_hbm, bdst_hbm, cnt_hbm, out_hbm,
               sidx_f, didx_f, d0, d1, d2, r0, r1, r2, cntv, agg_sh, gsem):
    c = lax.axis_index("c")
    s = lax.axis_index("s")
    rows = [r0, r1, r2]
    dbuf = [d0, d1, d2]
    zeros = jnp.zeros((L,), jnp.float32)

    def zrow(i, _):
        for sl in range(2):
            for j in range(D // L // 2):
                r0[i, sl, pl.ds(j * L, L)] = zeros
        return 0
    lax.fori_loop(0, K, zrow, 0)
    for t in range(WPS // K):
        pltpu.sync_copy(r0, agg_sh.at[pl.ds(s * WPS + t * K, K)])

    @pl.when(s == 0)
    def _():
        pltpu.sync_copy(r0.at[pl.ds(0, NHP - NH)],
                        agg_sh.at[pl.ds(NH, NHP - NH)])

    pltpu.sync_copy(cnt_hbm.at[c, s], cntv)
    nch = cntv[pl.ds(0, L)][0] // K

    plsc.subcore_barrier()

    def phase(p, _):
        nph = jnp.clip(nch - p * CPP, 0, CPP)

        @pl.when(nph > 0)
        def _():
            pltpu.sync_copy(bsrc_hbm.at[c, s, pl.ds(p * CPP * K, CPP * K)],
                            sidx_f)
            pltpu.sync_copy(bdst_hbm.at[c, s, pl.ds(p * CPP * K, CPP * K)],
                            didx_f)
            for j in range(LA):
                pltpu.async_copy(
                    y_hbm.at[sidx_f.at[pl.ds(j * K, K)]], rows[j],
                    gsem.at[j])

            def ring(i, _):
                for j in range(NBUF):
                    ch = NBUF * i + j
                    jF = (j + LA) % NBUF

                    @pl.when(ch + LA < nph)
                    def _():
                        pltpu.async_copy(
                            y_hbm.at[sidx_f.at[pl.ds((ch + LA) * K, K)]],
                            rows[jF], gsem.at[jF])
                    pltpu.make_async_copy(
                        y_hbm.at[sidx_f.at[pl.ds(ch * K, K)]], rows[j],
                        gsem.at[j]).wait()
                    for m in range(K // L):
                        dbuf[j][pl.ds(m * L, L)] = (
                            didx_f[pl.ds(ch * K + m * L, L)])
                    pltpu.sync_copy(rows[j], agg_sh.at[dbuf[j]],
                                    add=True)
                return 0
            lax.fori_loop(0, nph // NBUF, ring, 0)
        return 0
    lax.fori_loop(0, NPH, phase, 0)

    plsc.subcore_barrier()
    pltpu.sync_copy(agg_sh.at[pl.ds(s * WPS, WPS)],
                    out_hbm.at[pl.ds((1 - c) * NH + s * WPS, WPS)])


@jax.jit
def _propagate(y, bsrc, bdst, cnt):
    return pl.kernel(
        _prop_body,
        out_type=jax.ShapeDtypeStruct((N_PAD, 2, D // 2), jnp.float32),
        mesh=_sc_mesh(),
        scratch_types=[
            pltpu.VMEM((CPP * K,), jnp.int32),
            pltpu.VMEM((CPP * K,), jnp.int32),
            pltpu.VMEM((K,), jnp.int32),
            pltpu.VMEM((K,), jnp.int32),
            pltpu.VMEM((K,), jnp.int32),
            pltpu.VMEM((K, 2, D // 2), jnp.float32),
            pltpu.VMEM((K, 2, D // 2), jnp.float32),
            pltpu.VMEM((K, 2, D // 2), jnp.float32),
            pltpu.VMEM((L,), jnp.int32),
            pltpu.VMEM_SHARED((NHP, 2, D // 2), jnp.float32),
            pltpu.SemaphoreType.DMA((NBUF,)),
        ],
        compiler_params=_SC_PARAMS,
    )(y, bsrc, bdst, cnt)


_BR = 1024
_G = N_PAD // _BR


def _pre_body(x_ref, w_ref, deg_ref, o_ref):
    nsrc = lax.rsqrt(jnp.maximum(deg_ref[...], 1.0))
    o_ref[...] = jnp.dot(x_ref[...], w_ref[...],
                         preferred_element_type=jnp.float32) * nsrc


@jax.jit
def _pre(feat_p, W, outdeg):
    return pl.pallas_call(
        _pre_body,
        grid=(_G,),
        in_specs=[
            pl.BlockSpec((_BR, D), lambda i: (i, 0)),
            pl.BlockSpec((D, D), lambda i: (0, 0)),
            pl.BlockSpec((_BR, 1), lambda i: (i, 0)),
        ],
        out_specs=pl.BlockSpec((_BR, D), lambda i: (i, 0)),
        out_shape=jax.ShapeDtypeStruct((N_PAD, D), jnp.float32),
    )(feat_p, W, outdeg)


def _mid_body(a_ref, indeg_ref, outdeg_ref, b_ref, w_ref, o_ref):
    ndst = lax.rsqrt(jnp.maximum(indeg_ref[...], 1.0))
    h = jnp.maximum(a_ref[...] * ndst + b_ref[...], 0.0)
    y = jnp.dot(h, w_ref[...], preferred_element_type=jnp.float32)
    nsrc = lax.rsqrt(jnp.maximum(outdeg_ref[...], 1.0))
    o_ref[...] = y * nsrc


@jax.jit
def _mid(agg, indeg, outdeg, b, W):
    return pl.pallas_call(
        _mid_body,
        grid=(_G,),
        in_specs=[
            pl.BlockSpec((_BR, D), lambda i: (i, 0)),
            pl.BlockSpec((_BR, 1), lambda i: (i, 0)),
            pl.BlockSpec((_BR, 1), lambda i: (i, 0)),
            pl.BlockSpec((1, D), lambda i: (0, 0)),
            pl.BlockSpec((D, D), lambda i: (0, 0)),
        ],
        out_specs=pl.BlockSpec((_BR, D), lambda i: (i, 0)),
        out_shape=jax.ShapeDtypeStruct((N_PAD, D), jnp.float32),
    )(agg, indeg, outdeg, b, W)


def _post_body(a_ref, indeg_ref, b_ref, o_ref):
    ndst = lax.rsqrt(jnp.maximum(indeg_ref[...], 1.0))
    o_ref[...] = a_ref[...] * ndst + b_ref[...]


@jax.jit
def _post(agg, indeg, b):
    return pl.pallas_call(
        _post_body,
        grid=(_G,),
        in_specs=[
            pl.BlockSpec((_BR, D), lambda i: (i, 0)),
            pl.BlockSpec((_BR, 1), lambda i: (i, 0)),
            pl.BlockSpec((1, D), lambda i: (0, 0)),
        ],
        out_specs=pl.BlockSpec((_BR, D), lambda i: (i, 0)),
        out_shape=jax.ShapeDtypeStruct((N_PAD, D), jnp.float32),
    )(agg, indeg, b)


def kernel(feat, edge_index, W1, b1, W2, b2):
    src = edge_index[0].astype(jnp.int32)
    dst = edge_index[1].astype(jnp.int32)
    pad = jnp.full((E_PAD - E,), TRASH, jnp.int32)
    src_p = jnp.concatenate([src, pad]).reshape(NS, EPS)
    dst_p = jnp.concatenate([dst, pad]).reshape(NS, EPS)
    edges = jnp.stack([src_p, dst_p])

    deg = _degrees(edges)
    outdeg = deg[0].reshape(N_PAD, 1)
    indeg = deg[1].reshape(N_PAD, 1)
    bsrc, bdst, cnt = _buckets(edges)

    feat_p = jnp.pad(feat, ((0, N_PAD - N_NODES), (0, 0)))

    y1 = _pre(feat_p, W1, outdeg)
    agg1 = _propagate(y1.reshape(N_PAD, 2, D // 2), bsrc, bdst, cnt)
    y2 = _mid(agg1.reshape(N_PAD, D), indeg, outdeg, b1.reshape(1, D), W2)
    agg2 = _propagate(y2.reshape(N_PAD, 2, D // 2), bsrc, bdst, cnt)
    out = _post(agg2.reshape(N_PAD, D), indeg, b2.reshape(1, D))
    return out[:N_NODES]

# --- scband reference (transcript-rebuilt; emitter-appended) ---
"""Pipeline reference for scband-my-graph-conv-11622181503629 (READ-ONLY COPY).

The authoritative reference and input builder live on the scoring server;
editing this copy changes nothing except your own understanding.
"""

import jax, jax.numpy as jnp
import numpy as np

N_NODES = 10000
D_IN = 256
D_HID = 256
D_OUT = 256
N_EDGES = 160000


def _graph_conv(feat, src, dst, W, b, n_nodes):
    # DGL GraphConv with norm='both': symmetric degree normalization.
    ones = jnp.ones((src.shape[0],), dtype=feat.dtype)
    out_deg = jnp.zeros((n_nodes,), dtype=feat.dtype).at[src].add(ones)
    out_deg = jnp.clip(out_deg, 1.0, None)
    in_deg = jnp.zeros((n_nodes,), dtype=feat.dtype).at[dst].add(ones)
    in_deg = jnp.clip(in_deg, 1.0, None)
    norm_src = jax.lax.rsqrt(out_deg)
    norm_dst = jax.lax.rsqrt(in_deg)
    h = feat * norm_src[:, None]
    # message passing: gather from src, scatter-add to dst
    msgs = jnp.take(h, src, axis=0)
    agg = jnp.zeros((n_nodes, h.shape[1]), dtype=feat.dtype).at[dst].add(msgs)
    agg = agg * norm_dst[:, None]
    return agg @ W + b


def setup_inputs(seed: int = 0) -> dict:
    key = jax.random.key(seed)
    k1, k2, k3, k4, k5, k6 = jax.random.split(key, 6)
    feat = jax.random.normal(k1, (N_NODES, D_IN), dtype=jnp.float32)
    edge_index = jax.random.randint(k2, (2, N_EDGES), 0, N_NODES, dtype=jnp.int64)
    # glorot-uniform-ish init for layer weights, zeros for bias (DGL default)
    lim1 = np.sqrt(6.0 / (D_IN + D_HID))
    W1 = jax.random.uniform(k3, (D_IN, D_HID), dtype=jnp.float32, minval=-lim1, maxval=lim1)
    b1 = jnp.zeros((D_HID,), dtype=jnp.float32)
    lim2 = np.sqrt(6.0 / (D_HID + D_OUT))
    W2 = jax.random.uniform(k4, (D_HID, D_OUT), dtype=jnp.float32, minval=-lim2, maxval=lim2)
    b2 = jnp.zeros((D_OUT,), dtype=jnp.float32)
    return {"feat": feat, "edge_index": edge_index, "W1": W1, "b1": b1, "W2": W2, "b2": b2}


def reference(feat, edge_index, W1, b1, W2, b2):
    src = edge_index[0]
    dst = edge_index[1]
    h = _graph_conv(feat, src, dst, W1, b1, N_NODES)
    # dropout(p=0) is identity
    h = jax.nn.relu(h)
    out = _graph_conv(h, src, dst, W2, b2, N_NODES)
    return out

if __name__ == "__main__":
    import jax
    _d = setup_inputs()
    print(jax.jit(kernel)(*tuple(_d.values())))

</pallas_src>

<mosaic_0001>
#map = affine_map<(d0, d1) -> (0, 0, 0)>
#map1 = affine_map<(d0, d1) -> (0, 0)>
module attributes {stable_mosaic.version = 14 : i64} {
  func.func @_deg_kernel_body(%arg0: i32, %arg1: i32, %arg2: memref<2x16x10240xi32, #tpu.memory_space<hbm>>, %arg3: memref<2x10240xf32, #tpu.memory_space<hbm>>, %arg4: memref<10240xi32, #tpu.memory_space<vmem>>, %arg5: memref<10240xf32, #tpu.memory_space<vmem>>, %arg6: memref<640xf32, #tpu.memory_space<vmem>>, %arg7: memref<640xf32, #tpu.memory_space<vmem>>, %arg8: memref<16x10240xf32, #tpu.memory_space<vmem_shared>>) attributes {dimension_semantics = [#tpu.dimension_semantics<core_parallel>, #tpu.dimension_semantics<subcore_parallel>], iteration_bounds = array<i64: 2, 16>, scalar_prefetch = 0 : i64, scratch_operands = 5 : i64, tpu.core_type = #tpu.core_type<sc_vector_subcore>, window_params = [{transform_indices = #map}, {transform_indices = #map1}]} {
    %broadcast_in_dim3A = arith.constant 0.000000e+00 : f32
    %broadcast_in_dim3A_0 = vector.broadcast %broadcast_in_dim3A : f32 to vector<16xf32>
    %broadcast_in_dim3A_1 = arith.constant 1.000000e+00 : f32
    %broadcast_in_dim3A_2 = vector.broadcast %broadcast_in_dim3A_1 : f32 to vector<16xf32>
    %scan3A = arith.constant 0 : i32
    %scan3A_3 = arith.constant 0 : i32
    %scan3A_4 = arith.constant 640 : i32
    %scan3A_5 = arith.addi %scan3A_3, %scan3A_4 : i32
    %scan3A_6 = arith.constant 1 : i32
    %scan3A_7 = scf.for %scan3A_31 = %scan3A_3 to %scan3A_5 step %scan3A_6 iter_args(%scan3A_32 = %scan3A) -> (i32)  : i32 {
      %mul3A_33 = arith.constant 16 : i32
      %mul3A_34 = arith.muli %scan3A_31, %mul3A_33 : i32
      %swap3A = arith.index_cast %mul3A_34 : i32 to index
      %swap3A_35 = tpu.vector_load %arg5[%swap3A] {strides = array<i32>} : memref<10240xf32, #tpu.memory_space<vmem>>, vector<16xf32>,
      tpu.vector_store %arg5[%swap3A], %broadcast_in_dim3A_0 {strides = array<i32>} : memref<10240xf32, #tpu.memory_space<vmem>>, vector<16xf32>,
      %scan3A_36 = arith.constant 0 : i32
      scf.yield %scan3A_36 : i32
    }
    %scan3A_8 = arith.constant 640 : i32
    "tpu.region"() ({
      %run_scoped3A = tpu.sem_alloc : memref<!tpu.dma_semaphore, #tpu.memory_space<semaphore_mem>>
      %dma_start3A = arith.constant 0 : i32
      %dma_start3A_31 = tpu.memref_slice %arg2[%arg0, %arg1, %dma_start3A] : memref<2x16x10240xi32, #tpu.memory_space<hbm>> -> memref<1x1x10240xi32, #tpu.memory_space<hbm>>
      %dma_start3A_32 = tpu.memref_squeeze %dma_start3A_31 : memref<1x1x10240xi32, #tpu.memory_space<hbm>> -> memref<10240xi32, #tpu.memory_space<hbm>>
      %dma_start3A_33 = arith.constant 0 : i32
      %dma_start3A_34 = tpu.memref_slice %arg2[%arg0, %arg1, %dma_start3A_33] : memref<2x16x10240xi32, #tpu.memory_space<hbm>> -> memref<1x1x10240xi32, #tpu.memory_space<hbm>>
      %dma_start3A_35 = tpu.memref_squeeze %dma_start3A_34 : memref<1x1x10240xi32, #tpu.memory_space<hbm>> -> memref<10240xi32, #tpu.memory_space<hbm>>
      tpu.enqueue_dma source(%dma_start3A_35 : memref<10240xi32, #tpu.memory_space<hbm>>) target(%arg4 : memref<10240xi32, #tpu.memory_space<vmem>>) target_semaphore(%run_scoped3A : memref<!tpu.dma_semaphore, #tpu.memory_space<semaphore_mem>>)
      %dma_wait3A = arith.constant 0 : i32
      %dma_wait3A_36 = tpu.memref_slice %arg2[%arg0, %arg1, %dma_wait3A] : memref<2x16x10240xi32, #tpu.memory_space<hbm>> -> memref<1x1x10240xi32, #tpu.memory_space<hbm>>
      %dma_wait3A_37 = tpu.memref_squeeze %dma_wait3A_36 : memref<1x1x10240xi32, #tpu.memory_space<hbm>> -> memref<10240xi32, #tpu.memory_space<hbm>>
      %dma_wait3A_38 = arith.constant 0 : i32
      %dma_wait3A_39 = tpu.memref_slice %arg2[%arg0, %arg1, %dma_wait3A_38] : memref<2x16x10240xi32, #tpu.memory_space<hbm>> -> memref<1x1x10240xi32, #tpu.memory_space<hbm>>
      %dma_wait3A_40 = tpu.memref_squeeze %dma_wait3A_39 : memref<1x1x10240xi32, #tpu.memory_space<hbm>> -> memref<10240xi32, #tpu.memory_space<hbm>>
      tpu.wait_dma2 semaphore(%run_scoped3A : memref<!tpu.dma_semaphore, #tpu.memory_space<semaphore_mem>>) src(%dma_wait3A_40 : memref<10240xi32, #tpu.memory_space<hbm>>) dst(%arg4 : memref<10240xi32, #tpu.memory_space<vmem>>)
      tpu.yield
    }) : () -> ()
    %scan3A_9 = arith.constant 0 : i32
    %scan3A_10 = arith.constant 0 : i32
    %scan3A_11 = arith.constant 640 : i32
    %scan3A_12 = arith.addi %scan3A_10, %scan3A_11 : i32
    %scan3A_13 = arith.constant 1 : i32
    %scan3A_14 = scf.for %scan3A_31 = %scan3A_10 to %scan3A_12 step %scan3A_13 iter_args(%scan3A_32 = %scan3A_9) -> (i32)  : i32 {
      %mul3A_33 = arith.constant 16 : i32
      %mul3A_34 = arith.muli %scan3A_31, %mul3A_33 : i32
      %get3A = arith.index_cast %mul3A_34 : i32 to index
      %get3A_35 = tpu.vector_load %arg4[%get3A] {strides = array<i32>} : memref<10240xi32, #tpu.memory_space<vmem>>, vector<16xi32>,
      tpu.vector_store_idx %arg5[%get3A_35], %broadcast_in_dim3A_2 {add = true} : memref<10240xf32, #tpu.memory_space<vmem>>[vector<16xi32>], vector<16xf32>,
      %scan3A_36 = arith.constant 0 : i32
      scf.yield %scan3A_36 : i32
    }
    %scan3A_15 = arith.constant 640 : i32
    "tpu.region"() ({
      %run_scoped3A = tpu.sem_alloc : memref<!tpu.dma_semaphore, #tpu.memory_space<semaphore_mem>>
      %dma_start3A = arith.constant 0 : i32
      %dma_start3A_31 = tpu.memref_slice %arg8[%arg1, %dma_start3A] : memref<16x10240xf32, #tpu.memory_space<vmem_shared>> -> memref<1x10240xf32, #tpu.memory_space<vmem_shared>>
      %dma_start3A_32 = tpu.memref_squeeze %dma_start3A_31 : memref<1x10240xf32, #tpu.memory_space<vmem_shared>> -> memref<10240xf32, #tpu.memory_space<vmem_shared>>
      %dma_start3A_33 = arith.constant 0 : i32
      %dma_start3A_34 = tpu.memref_slice %arg8[%arg1, %dma_start3A_33] : memref<16x10240xf32, #tpu.memory_space<vmem_shared>> -> memref<1x10240xf32, #tpu.memory_space<vmem_shared>>
      %dma_start3A_35 = tpu.memref_squeeze %dma_start3A_34 : memref<1x10240xf32, #tpu.memory_space<vmem_shared>> -> memref<10240xf32, #tpu.memory_space<vmem_shared>>
      tpu.enqueue_dma source(%arg5 : memref<10240xf32, #tpu.memory_space<vmem>>) target(%dma_start3A_35 : memref<10240xf32, #tpu.memory_space<vmem_shared>>) target_semaphore(%run_scoped3A : memref<!tpu.dma_semaphore, #tpu.memory_space<semaphore_mem>>)
      %dma_wait3A = arith.constant 0 : i32
      %dma_wait3A_36 = tpu.memref_slice %arg8[%arg1, %dma_wait3A] : memref<16x10240xf32, #tpu.memory_space<vmem_shared>> -> memref<1x10240xf32, #tpu.memory_space<vmem_shared>>
      %dma_wait3A_37 = tpu.memref_squeeze %dma_wait3A_36 : memref<1x10240xf32, #tpu.memory_space<vmem_shared>> -> memref<10240xf32, #tpu.memory_space<vmem_shared>>
      %dma_wait3A_38 = arith.constant 0 : i32
      %dma_wait3A_39 = tpu.memref_slice %arg8[%arg1, %dma_wait3A_38] : memref<16x10240xf32, #tpu.memory_space<vmem_shared>> -> memref<1x10240xf32, #tpu.memory_space<vmem_shared>>
      %dma_wait3A_40 = tpu.memref_squeeze %dma_wait3A_39 : memref<1x10240xf32, #tpu.memory_space<vmem_shared>> -> memref<10240xf32, #tpu.memory_space<vmem_shared>>
      tpu.wait_dma2 semaphore(%run_scoped3A : memref<!tpu.dma_semaphore, #tpu.memory_space<semaphore_mem>>) src(%arg5 : memref<10240xf32, #tpu.memory_space<vmem>>) dst(%dma_wait3A_40 : memref<10240xf32, #tpu.memory_space<vmem_shared>>)
      tpu.yield
    }) : () -> ()
    %barrier3A = arith.constant 0 : index
    tpu.barrier barrier_id(%barrier3A)
    %mul3A = arith.constant 640 : i32
    %mul3A_16 = arith.muli %arg1, %mul3A : i32
    %scan3A_17 = arith.constant 0 : i32
    %scan3A_18 = arith.constant 0 : i32
    %scan3A_19 = arith.constant 40 : i32
    %scan3A_20 = arith.addi %scan3A_18, %scan3A_19 : i32
    %scan3A_21 = arith.constant 1 : i32
    %scan3A_22 = scf.for %scan3A_31 = %scan3A_18 to %scan3A_20 step %scan3A_21 iter_args(%scan3A_32 = %scan3A_17) -> (i32)  : i32 {
      %mul3A_33 = arith.constant 16 : i32
      %mul3A_34 = arith.muli %scan3A_31, %mul3A_33 : i32
      %swap3A = arith.index_cast %mul3A_34 : i32 to index
      %swap3A_35 = tpu.vector_load %arg7[%swap3A] {strides = array<i32>} : memref<640xf32, #tpu.memory_space<vmem>>, vector<16xf32>,
      tpu.vector_store %arg7[%swap3A], %broadcast_in_dim3A_0 {strides = array<i32>} : memref<640xf32, #tpu.memory_space<vmem>>, vector<16xf32>,
      %scan3A_36 = arith.constant 0 : i32
      scf.yield %scan3A_36 : i32
    }
    %scan3A_23 = arith.constant 40 : i32
    %scan3A_24 = arith.constant 0 : i32
    %scan3A_25 = arith.constant 0 : i32
    %scan3A_26 = arith.constant 16 : i32
    %scan3A_27 = arith.addi %scan3A_25, %scan3A_26 : i32
    %scan3A_28 = arith.constant 1 : i32
    %scan3A_29 = scf.for %scan3A_31 = %scan3A_25 to %scan3A_27 step %scan3A_28 iter_args(%scan3A_32 = %scan3A_24) -> (i32)  : i32 {
      "tpu.region"() ({
        %run_scoped3A = tpu.sem_alloc : memref<!tpu.dma_semaphore, #tpu.memory_space<semaphore_mem>>
        %dma_start3A = tpu.memref_slice %arg8[%scan3A_31, %mul3A_16] : memref<16x10240xf32, #tpu.memory_space<vmem_shared>> -> memref<1x640xf32, #tpu.memory_space<vmem_shared>>
        %dma_start3A_41 = tpu.memref_squeeze %dma_start3A : memref<1x640xf32, #tpu.memory_space<vmem_shared>> -> memref<640xf32, #tpu.memory_space<vmem_shared>>
        %dma_start3A_42 = tpu.memref_slice %arg8[%scan3A_31, %mul3A_16] : memref<16x10240xf32, #tpu.memory_space<vmem_shared>> -> memref<1x640xf32, #tpu.memory_space<vmem_shared>>
        %dma_start3A_43 = tpu.memref_squeeze %dma_start3A_42 : memref<1x640xf32, #tpu.memory_space<vmem_shared>> -> memref<640xf32, #tpu.memory_space<vmem_shared>>
        tpu.enqueue_dma source(%dma_start3A_43 : memref<640xf32, #tpu.memory_space<vmem_shared>>) target(%arg6 : memref<640xf32, #tpu.memory_space<vmem>>) target_semaphore(%run_scoped3A : memref<!tpu.dma_semaphore, #tpu.memory_space<semaphore_mem>>)
        %dma_wait3A = tpu.memref_slice %arg8[%scan3A_31, %mul3A_16] : memref<16x10240xf32, #tpu.memory_space<vmem_shared>> -> memref<1x640xf32, #tpu.memory_space<vmem_shared>>
        %dma_wait3A_44 = tpu.memref_squeeze %dma_wait3A : memref<1x640xf32, #tpu.memory_space<vmem_shared>> -> memref<640xf32, #tpu.memory_space<vmem_shared>>
        %dma_wait3A_45 = tpu.memref_slice %arg8[%scan3A_31, %mul3A_16] : memref<16x10240xf32, #tpu.memory_space<vmem_shared>> -> memref<1x640xf32, #tpu.memory_space<vmem_shared>>
        %dma_wait3A_46 = tpu.memref_squeeze %dma_wait3A_45 : memref<1x640xf32, #tpu.memory_space<vmem_shared>> -> memref<640xf32, #tpu.memory_space<vmem_shared>>
        tpu.wait_dma2 semaphore(%run_scoped3A : memref<!tpu.dma_semaphore, #tpu.memory_space<semaphore_mem>>) src(%dma_wait3A_46 : memref<640xf32, #tpu.memory_space<vmem_shared>>) dst(%arg6 : memref<640xf32, #tpu.memory_space<vmem>>)
        tpu.yield
      }) : () -> ()
      %scan3A_33 = arith.constant 0 : i32
      %scan3A_34 = arith.constant 0 : i32
      %scan3A_35 = arith.constant 40 : i32
      %scan3A_36 = arith.addi %scan3A_34, %scan3A_35 : i32
      %scan3A_37 = arith.constant 1 : i32
      %scan3A_38 = scf.for %scan3A_41 = %scan3A_34 to %scan3A_36 step %scan3A_37 iter_args(%scan3A_42 = %scan3A_33) -> (i32)  : i32 {
        %mul3A_43 = arith.constant 16 : i32
        %mul3A_44 = arith.muli %scan3A_41, %mul3A_43 : i32
        %get3A = arith.index_cast %mul3A_44 : i32 to index
        %get3A_45 = tpu.vector_load %arg7[%get3A] {strides = array<i32>} : memref<640xf32, #tpu.memory_space<vmem>>, vector<16xf32>,
        %get3A_46 = arith.index_cast %mul3A_44 : i32 to index
        %get3A_47 = tpu.vector_load %arg6[%get3A_46] {strides = array<i32>} : memref<640xf32, #tpu.memory_space<vmem>>, vector<16xf32>,
        %add3A = arith.addf %get3A_45, %get3A_47 : vector<16xf32>
        %swap3A = arith.index_cast %mul3A_44 : i32 to index
        %swap3A_48 = tpu.vector_load %arg7[%swap3A] {strides = array<i32>} : memref<640xf32, #tpu.memory_space<vmem>>, vector<16xf32>,
        tpu.vector_store %arg7[%swap3A], %add3A {strides = array<i32>} : memref<640xf32, #tpu.memory_space<vmem>>, vector<16xf32>,
        %scan3A_49 = arith.constant 0 : i32
        scf.yield %scan3A_49 : i32
      }
      %scan3A_39 = arith.constant 40 : i32
      %scan3A_40 = arith.constant 0 : i32
      scf.yield %scan3A_40 : i32
    }
    %scan3A_30 = arith.constant 16 : i32
    "tpu.region"() ({
      %run_scoped3A = tpu.sem_alloc : memref<!tpu.dma_semaphore, #tpu.memory_space<semaphore_mem>>
      %dma_start3A = tpu.memref_slice %arg3[%arg0, %mul3A_16] : memref<2x10240xf32, #tpu.memory_space<hbm>> -> memref<1x640xf32, #tpu.memory_space<hbm>>
      %dma_start3A_31 = tpu.memref_squeeze %dma_start3A : memref<1x640xf32, #tpu.memory_space<hbm>> -> memref<640xf32, #tpu.memory_space<hbm>>
      %dma_start3A_32 = tpu.memref_slice %arg3[%arg0, %mul3A_16] : memref<2x10240xf32, #tpu.memory_space<hbm>> -> memref<1x640xf32, #tpu.memory_space<hbm>>
      %dma_start3A_33 = tpu.memref_squeeze %dma_start3A_32 : memref<1x640xf32, #tpu.memory_space<hbm>> -> memref<640xf32, #tpu.memory_space<hbm>>
      tpu.enqueue_dma source(%arg7 : memref<640xf32, #tpu.memory_space<vmem>>) target(%dma_start3A_33 : memref<640xf32, #tpu.memory_space<hbm>>) target_semaphore(%run_scoped3A : memref<!tpu.dma_semaphore, #tpu.memory_space<semaphore_mem>>)
      %dma_wait3A = tpu.memref_slice %arg3[%arg0, %mul3A_16] : memref<2x10240xf32, #tpu.memory_space<hbm>> -> memref<1x640xf32, #tpu.memory_space<hbm>>
      %dma_wait3A_34 = tpu.memref_squeeze %dma_wait3A : memref<1x640xf32, #tpu.memory_space<hbm>> -> memref<640xf32, #tpu.memory_space<hbm>>
      %dma_wait3A_35 = tpu.memref_slice %arg3[%arg0, %mul3A_16] : memref<2x10240xf32, #tpu.memory_space<hbm>> -> memref<1x640xf32, #tpu.memory_space<hbm>>
      %dma_wait3A_36 = tpu.memref_squeeze %dma_wait3A_35 : memref<1x640xf32, #tpu.memory_space<hbm>> -> memref<640xf32, #tpu.memory_space<hbm>>
      tpu.wait_dma2 semaphore(%run_scoped3A : memref<!tpu.dma_semaphore, #tpu.memory_space<semaphore_mem>>) src(%arg7 : memref<640xf32, #tpu.memory_space<vmem>>) dst(%dma_wait3A_36 : memref<640xf32, #tpu.memory_space<hbm>>)
      tpu.yield
    }) : () -> ()
    return
  }
}

</mosaic_0001>

<sc_bundles>
// kernel: _degrees.3.cloned.1.call-start
scs
__scs_entry_jumppad:
0x0: {  	(pc) =	sbr.rel $0x88, $3  }
0x1: {  	(tag) =	ssettag $0x0;
	lr =	simm.s32 $0x1  }
0x2: {  	[smem:$0x3FA0] =	sst lr;
	_ =	strace $0xD0000000  }
0x3: {  	_ = 	snop  }
0x4: {  	_ = 	snop  }
0x5: {  	_ = 	snop  }
0x6: {  	_ = 	snop  }
0x7: {  	_ = 	snop  }
__scs_overlays_trampoline_lowered:
0x8: {  	[smem:$0x3FAF] =	sst s0  }
0x9: {  	[smem:$0x3FB0] =	sst s1  }
0xa: {  	[smem:$0x3FB1] =	sst s2  }
0xb: {  	[smem:$0x3FB2] =	sst s3  }
0xc: {  	[smem:$0x3FB3] =	sst s4  }
0xd: {  	[smem:$0x3FB4] =	sst s5  }
0xe: {  	[smem:$0x3FB5] =	sst s6  }
0xf: {  	[smem:$0x3FB6] =	sst s7  }
0x10: {  	[smem:$0x3FB7] =	sst s8  }
0x11: {  	[smem:$0x3FB8] =	sst s9;
	s0 =	simm.s32 @!p0 $0x0  }
0x12: {  	s1 =	sld [smem:$0x3F9E];
	s0 =	simm.s32 @p0 $0x1  }
0x13: {  	[smem:$0x3FB9] =	sst s0;
	s0 =	simm.s32 @!p1 $0x0  }
0x14: {  	s2 =	sld [smem:$0x3F9D];
	s0 =	simm.s32 @p1 $0x1  }
0x15: {  	[smem:$0x3FBA] =	sst s0;
	s0 =	simm.s32 @!p2 $0x0  }
0x16: {  	s3 =	sld [smem:$0x3FDB];
	s0 =	simm.s32 @p2 $0x1  }
0x17: {  	s4 =	simm.s32 $0x1BF5;
	[smem:$0x3FBC] =	sst s0  }
0x18: {  	s0 =	sld [smem:$0x3F9F];
	_ =	swait.ge [sflag:s4], $0x0  }
0x19: {  	s7 =	sld [smem:$0x3FA0]  }
0x1a: {  	s8 =	sadd.s32 $0xFFFFE003, lr  }
0x1b: {  	s9 =	sadd.s32 $0xFFFFFEF7, lr;
	s5 =	simm.s32 $0xFFFFFFFF;
	p2 =	slt.u32 s8, $0xFFFFF086  }
0x1c: {  	p1 =	slt.u32 s9, $0xF7A;
	s5 =	simm.s32 @!p2 $0x0  }
0x1d: {  	s5 =	simm.s32 @p1 $0x1;
	p0 =	seq.s32 s7, s2  }
0x1e: {  	s7 =	smul.u32 @!p0 $0xF7A, s2;
	p2 =	seq.s32 @!p0 s5, $0x0  }
0x1f: {  	s9 =	smul.u32 $0xF7A, s1;
	s8 =	simm.s32 @!p0 $0x1BF5;
	p2 =	por !p2, p0  }
0x20: {  	[sflag:s8] =	ssyncset.s32 @!p0 $0xFFFFF086;
	s6 =	sadd.s32 @!p0 s3, s7;
	s7 =	simm.s32 @!p0 $0x108  }
0x21: {  	s3 =	sadd.s32 s3, s9;
	s6 =	sadd.s32 @!p0 $0x88, s6;
	s7 =	simm.s32 @p2 $0x1082  }
0x22: {  	[simem:s7], [sflag:s8] =	dma.local @!p0 [hbm:s6], $0xF7A  }
0x23: {  	s9 =	sor.u32 $0xD0000000, s2;
	s6 =	simm.s32 $0x108;
	_ =	swait.ge @!p0 [sflag:s8], $0x0  }
0x24: {  	s3 =	sadd.s32 $0x88, s3;
	s6 =	simm.s32 @!p1 $0x1082;
	[sflag:s4] =	ssyncset.s32 $0xFFFFF086  }
0x25: {  	[simem:s6], [sflag:s4] =	dma.local [hbm:s3], $0xF7A  }
0x26: {  	[smem:$0x3FA0] =	sst s1;
	(tag) =	ssettag s2;
	_ =	strace s9  }
0x27: {  	s1 =	sld [smem:$0x3FB0]  }
0x28: {  	s2 =	sld [smem:$0x3FB1]  }
0x29: {  	s4 =	sld [smem:$0x3FB3]  }
0x2a: {  	p0 =	seq.s32 s5, $0x0;
	s5 =	sld [smem:$0x3FB4]  }
0x2b: {  	s6 =	sld [smem:$0x3FB5]  }
0x2c: {  	s7 =	sld [smem:$0x3FB6]  }
0x2d: {  	s3 =	simm.s32 $0x108;
	s8 =	sld [smem:$0x3FB7]  }
0x2e: {  	s3 =	simm.s32 @!p0 $0x1082;
	s9 =	sld [smem:$0x3FB8]  }
0x2f: {  	lr =	sadd.s32 s0, s3;
	s0 =	sld [smem:$0x3FAF]  }
0x30: {  	s3 =	sld [smem:$0x3FB2]  }
0x31: {  	[smem:$0x3FBB] =	sst s10  }
0x32: {  	s10 =	sld [smem:$0x3FB9];
	_ =	sdelay $0x3  }
0x33: {  	p0 =	seq.s32 s10, $0x1;
	s10 =	sld [smem:$0x3FBB];
	_ =	sdelay $0x3  }
0x34: {  	[smem:$0x3FBB] =	sst s10  }
0x35: {  	s10 =	sld [smem:$0x3FBA];
	_ =	sdelay $0x3  }
0x36: {  	p1 =	seq.s32 s10, $0x1;
	s10 =	sld [smem:$0x3FBB];
	_ =	sdelay $0x3  }
0x37: {  	[smem:$0x3FBB] =	sst s10  }
0x38: {  	s10 =	sld [smem:$0x3FBC]  }
0x39: {  	_ = 	snop;
	(pc) =	sbr.ind lr, $3  }
0x3a: {  	_ = 	snop  }
0x3b: {  	_ = 	snop  }
0x3c: {  	p2 =	seq.s32 s10, $0x1;
	s10 =	sld [smem:$0x3FBB]  }
0x3d: {  	_ =	shalt  }
0x3e: {  	_ =	shalt  }
0x3f: {  	_ =	shalt  }
0x40: {  	_ =	shalt  }
0x41: {  	_ =	shalt  }
0x42: {  	_ =	shalt  }
0x43: {  	_ =	shalt  }
0x44: {  	_ =	shalt  }
0x45: {  	_ =	shalt  }
0x46: {  	_ =	shalt  }
0x47: {  	_ =	shalt  }
0x48: {  	_ =	shalt  }
0x49: {  	_ =	shalt  }
0x4a: {  	_ =	shalt  }
0x4b: {  	_ =	shalt  }
0x4c: {  	_ =	shalt  }
0x4d: {  	_ =	shalt  }
0x4e: {  	_ =	shalt  }
0x4f: {  	_ =	shalt  }
0x50: {  	_ =	shalt  }
0x51: {  	_ =	shalt  }
0x52: {  	_ =	shalt  }
0x53: {  	_ =	shalt  }
0x54: {  	_ =	shalt  }
0x55: {  	_ =	shalt  }
0x56: {  	_ =	shalt  }
0x57: {  	_ =	shalt  }
0x58: {  	_ =	shalt  }
0x59: {  	_ =	shalt  }
0x5a: {  	_ =	shalt  }
0x5b: {  	_ =	shalt  }
0x5c: {  	_ =	shalt  }
0x5d: {  	_ =	shalt  }
0x5e: {  	_ =	shalt  }
0x5f: {  	_ =	shalt  }
0x60: {  	_ =	shalt  }
0x61: {  	_ =	shalt  }
0x62: {  	_ =	shalt  }
0x63: {  	_ =	shalt  }
0x64: {  	_ =	shalt  }
0x65: {  	_ =	shalt  }
0x66: {  	_ =	shalt  }
0x67: {  	_ =	shalt  }
0x68: {  	_ =	shalt  }
0x69: {  	_ =	shalt  }
0x6a: {  	_ =	shalt  }
0x6b: {  	_ =	shalt  }
0x6c: {  	_ =	shalt  }
0x6d: {  	_ =	shalt  }
0x6e: {  	_ =	shalt  }
0x6f: {  	_ =	shalt  }
0x70: {  	_ =	shalt  }
0x71: {  	_ =	shalt  }
0x72: {  	_ =	shalt  }
0x73: {  	_ =	shalt  }
0x74: {  	_ =	shalt  }
0x75: {  	_ =	shalt  }
0x76: {  	_ =	shalt  }
0x77: {  	_ =	shalt  }
0x78: {  	_ =	shalt  }
0x79: {  	_ =	shalt  }
0x7a: {  	_ =	shalt  }
0x7b: {  	_ =	shalt  }
0x7c: {  	_ =	shalt  }
0x7d: {  	_ =	shalt  }
0x7e: {  	_ =	shalt  }
0x7f: {  	_ =	shalt  }
0x80: {  	_ =	shalt  }
0x81: {  	_ =	shalt  }
0x82: {  	_ =	shalt  }
0x83: {  	_ =	shalt  }
0x84: {  	_ =	shalt  }
0x85: {  	_ =	shalt  }
0x86: {  	_ =	shalt  }
0x87: {  	_ =	shalt  }
.Lfunc_end0:
.L_simem_size_0:
called_computation_lowered:
.L_overlay_start_0:
0x88: {  	s2 =	sld [smem:$0x3FD9]  }
0x89: {  	s3 =	sld [smem:$0x3FFE];
	_ =	sdelay $0x1  }
0x8a: {  	s1 =	srdreg.scid  }
0x8b: {  	s0 =	sand.u32 $0x1, s1  }
0x8c: {  	s18 =	sshll.u32 s0, $0xA;
	s2 =	sadd.s32 s3, s2  }
0x8d: {  	s2 =	sadd.s32 s2, s18  }
0x8e: {  	[smem:$0x3FC7] =	sst s2  }
0x8f: {  	_ = 	snop  }
0x90: {  	s2 =	sld [smem:$0x3FC9]  }
0x91: {  	s19 =	sld [smem:$0x3FD0];
	(tm) =	ssettm $0x1  }
0x92: {  	s4 =	sld [smem:$0x3FFB];
	_ =	sdelay $0x3  }
0x93: {  	_ =	strace s4  }
0x94: {  	s4 =	sld [smem:$0x3FFC];
	_ =	sdelay $0x3  }
0x95: {  	_ =	strace s4  }
0x96: {  	s4 =	sld [smem:$0x3FFD];
	_ =	sdelay $0x3  }
0x97: {  	_ =	strace s4  }
0x98: {  	_ =	strace $0x8FFFFFFF  }
0x99: {  	s20 =	sld [smem:$0x3FDB];
	_ =	sdelay $0x1  }
0x9a: {  	s5 =	simm.s32 $_scs_section_size  }
0x9b: {  	s6 =	simm.s32 $_size__tile_overlayer_lowered;
	s7 =	simm.s32 $_tile_overlayer_lowered  }
0x9c: {  	s23 =	simm.s32 $0x1BFF;
	s22 =	sshll.u32 s7, $0x1;
	s4 =	sadd.s32 s5, s20  }
0x9d: {  	s8 =	simm.s32 $0x0;
	s21 =	sshll.u32 s6, $0x1;
	s6 =	sadd.s32 s22, s4  }
0x9e: {  	[timem:s8], [sflag:s23] =	dma.local [hbm:s6], s21  }
0x9f: {  	_ =	swait.ge [sflag:s23], s21  }
0xa0: {  	s5 =	ssub.s32 $0x0, s21;
	[sflag:s23] =	ssyncset.done $0x0  }
0xa1: {  	[sflag:s23] =	ssyncadd.s32 s5;
	_ =	sdelay $0x1  }
0xa2: {  	s24 =	simm.s32 $0x1B8B  }
0xa3: {  	_ =	swait.ge [sflag:s24], $0x1  }
0xa4: {  	[sflag:s24] =	ssyncset.done $0x0  }
0xa5: {  	s25 =	simm.s32 $0x1B8E;
	[sflag:s24] =	ssyncadd.s32 $0xFFFFFFFF  }
0xa6: {  	s26 =	simm.s32 $execute0_lowered;
	[smem:$0x3FD2] =	sst s25  }
0xa7: {  	s5 =	sshll.u32 s26, $0x1;
	_ =	strace $0x80000046;
	[dreg:$0x1] =	wrdreg $0xFFFFFFFF  }
0xa8: {  	s28 =	simm.s32 $_size_execute0_lowered;
	s4 =	sadd.s32 s4, s5;
	[dreg:$0x0] =	wrdreg $0x0  }
0xa9: {  	s5 =	sshll.u32 s28, $0x1;
	[dreg:$0x2] =	wrdreg s4  }
0xaa: {  	[dreg:$0x3] =	wrdreg s5  }
0xab: {  	[dreg:$0x4] =	wrdreg $0xC0  }
0xac: {  	_ =	task [dreg:s8], $0x5FFFF  }
0xad: {  	[dreg:$0x1] =	wrdreg $0xFFFFFFFF  }
0xae: {  	[dreg:$0x0] =	wrdreg $0x60  }
0xaf: {  	[dreg:$0x2] =	wrdreg s2  }
0xb0: {  	[dreg:$0x3] =	wrdreg s19  }
0xb1: {  	[dreg:$0x4] =	wrdreg $0x55000  }
0xb2: {  	[dreg:$0x5] =	wrdreg $0x9  }
0xb3: {  	_ =	task.clear_ibuf [dreg:s8], $0x6FFFF;
	_ =	strace $0x90000046  }
0xb4: {  	s29 =	simm.s32 $0x9;
	_ =	strace $0x80000048  }
0xb5: {  	_ =	swait.ge [sflag:s29], $0x1  }
0xb6: {  	[sflag:s29] =	ssyncadd.s32 $0xFFFFFFFF  }
0xb7: {  	_ =	strace $0x90000048  }
0xb8: {  	_ =	sfence  }
0xb9: {  	s30 =	sld [smem:$0x0];
	_ =	sdelay $0x2  }
0xba: {  	s31 =	sshll.u32 s1, $0xD;
	s1 =	sshrl.u32 s1, $0x2  }
0xbb: {  	s3 =	sand.u32 $0x4000, s31;
	s1 =	sadd.s32 s1, s30  }
0xbc: {  	s0 =	sor.u32 s3, s0;
	s1 =	sshll.u32 s1, $0x11  }
0xbd: {  	s0 =	sor.u32 s1, s0  }
0xbe: {  	s0 =	sadd.s32 $0x8F2B, s0  }
0xbf: {  	[sflag:s0] =	ssyncadd.remote.s32 $0x1  }
0xc0: {  	_ =	sfence.sel $0xFFFF  }
0xc1: {  	[dreg:$0x0] =	wrdreg $0xFFFFFFFF;
	(pc) =	sbr.abs _section_cstart, $3  }
0xc2: {  	[dreg:$0x1] =	wrdreg $0xFFFFFFFF  }
0xc3: {  	_ =	task.clear_ibuf [dreg:s8], $0x2FFFF;
	_ =	strace $0x9FFFFFFF  }
0xc4: {  	(tm) =	ssettm $0x7FFFFFFF  }
0xc5: {  	_ =	shalt  }
tec
execute0_lowered:
.L_overlay_start_1:
0x0: {  	(tag) =	ssettag $0x1  }
0x1: {  	s3 =	rddreg [dreg:$0x0];
	s0 =	stileid.u32  }
0x2: {  	s6 =	rddreg [dreg:$0x1];
	s1 =	srdreg.scid  }
0x3: {  	s5 =	rddreg [dreg:$0x2];
	s14 =	simm.s32 $0x5280;
	s11 =	smul.u32 $0x5000, s0  }
0x4: {  	s2 =	sshrl.u32 s0, $0x3;
	s4 =	sand.u32 $0x1, s1;
	s13 =	smul.u32 $0x500, s0  }
0x5: {  	s1 =	rddreg [dreg:$0x3];
	s9 =	sshll.u32 s0, $0x7;
	s7 =	smul.u32 $0x14000, s2  }
0x6: {  	s2 =	simm.s32 $0x0;
	s8 =	smul.u32 $0x28000, s4;
	s9 =	sand.u32 $0x380, s9  }
0x7: {  	s10 =	ssub.s32 $0x2, s4;
	s4 =	sshll.u32 s4, $0x7;
	[smem:$0x7FF] =	sst s2  }
0x8: {  	s12 =	sshrl.u32 s10, $0x1;
	s29 =	sshrl.u32 s11, $0x2;
	s30 =	sor.u32 s4, s13  }
0x9: {  	s11 =	simm.s32 $0x2800;
	s13 =	simm.s32 $0x100;
	_ =	strace $0x80000047  }
0xa: {  	s8 =	sadd.s32 s8, s7;
	s10 =	ssub.s32 s10, s12;
	s7 =	sadd.s32 s7, s5  }
0xb: {  	s5 =	sadd.s32 s29, s5;
	s31 =	sshrl.u32 s30, $0x3;
	s12 =	simm.s32 $0x5000  }
0xc: {  	s8 =	sor.u32 s9, s8;
	s4 =	sadd.s32 s9, s7;
	s6 =	sadd.s32 s6, s31  }
0xd: {  	s7 =	smax.u32 s10, $0x1;
	s9 =	simm.s32 $0x400;
	s8 =	sshrl.u32 s8, $0x3  }
0xe: {  	v0 =	vimm.f32 $0.0e+00;
	v1 =	vimm.f32 $1.000000000e+00;
	s10 =	simm.s32 $0x1;
	s3 =	sadd.s32 s3, s8;
	s8 =	simm.s32 $0x80  }
.LBB2_1:
0xf: {  	s15 =	simm.s32 $0x40;
	s16 =	simm.s32 $0x0  }
.LBB2_2:
0x10: {  	p0 =	sne.s32 s15, $0x9FC0;
	[tilespmem:s16+$0x2800] =	vst v0;
	s16 =	smov.u32 s15;
	s15 =	sadd.s32 $0x40, s15  }
.Ltmp0:
0x11: {  	(pc) =	sbr.rel @p0 .LBB2_2-.Ltmp0, $2  }
0x12: {  	_ =	sdelay $0x2  }
0x13: {  	s16 =	sshra.s32 s16, $0x2  }
0x14: {  	[tilespmem:s16+$0x2800] =	vst v0;
	s15 =	simm.s32 $0x0  }
0x15: {  	[tilespmem:s15], [sflag:$0x1] =	stream.strided.gather [hbm4b:s3+s8], $0x2800, s9, s8, $0x38;
	[tilespmem:$0x7D00] =	vst v63  }
0x16: {  	_ =	swait.ge [sflag:s10], $0x2800  }
0x17: {  	[sflag:s10] =	ssyncset.done $0x0  }
0x18: {  	s16 =	simm.s32 $0x0;
	s15 =	simm.s32 $0x40;
	[sflag:s10] =	ssyncadd.s32 $0xFFFFD800  }
.LBB2_4:
0x19: {  	p0 =	sne.s32 s15, $0x9FC0;
	v2 =	vld [tilespmem:s16+$0x0];
	_ =	sdelay $0x3  }
.Ltmp1:
0x1a: {  	(pc) =	sbr.rel @p0 .LBB2_4-.Ltmp1, $2  }
0x1b: {  	_ =	sdelay $0x2  }
0x1c: {  	s16 =	sshra.s32 s15, $0x2;
	s15 =	sadd.s32 $0x40, s15;
	[tilespmem:v2+s11+$0x0] =	vst.idx.add.f32.msk $0xffff, v1  }
0x1d: {  	v2 =	vld [tilespmem:s16+$0x0];
	_ =	sdelay $0x7  }
0x1e: {  	[tilespmem:v2+s11+$0x0] =	vst.idx.add.f32.msk $0xffff, v1  }
0x1f: {  	[spmem:s4] =	stream.strided.scatter [tilespmem:s11], [sflag:$0x1], $0x2800, s9, s8, $0x38;
	[tilespmem:$0x7D00] =	vst v63  }
0x20: {  	_ =	swait.ge [sflag:s10], $0x2800  }
0x21: {  	[sflag:s10] =	ssyncset.done $0x0  }
0x22: {  	[sflag:s10] =	ssyncadd.s32 $0xFFFFD800  }
0x23: {  	[bflag:$0x0] =	sbarrier.arrive $0xFFFF  }
0x24: {  	[tilespmem:$0x5280] =	vst v0  }
0x25: {  	[tilespmem:$0x5290] =	vst v0  }
0x26: {  	[tilespmem:$0x52A0] =	vst v0  }
0x27: {  	[tilespmem:$0x52B0] =	vst v0  }
0x28: {  	[tilespmem:$0x52C0] =	vst v0  }
0x29: {  	[tilespmem:$0x52D0] =	vst v0  }
0x2a: {  	[tilespmem:$0x52E0] =	vst v0  }
0x2b: {  	[tilespmem:$0x52F0] =	vst v0  }
0x2c: {  	[tilespmem:$0x5300] =	vst v0  }
0x2d: {  	[tilespmem:$0x5310] =	vst v0  }
0x2e: {  	[tilespmem:$0x5320] =	vst v0  }
0x2f: {  	[tilespmem:$0x5330] =	vst v0  }
0x30: {  	[tilespmem:$0x5340] =	vst v0  }
0x31: {  	[tilespmem:$0x5350] =	vst v0  }
0x32: {  	[tilespmem:$0x5360] =	vst v0  }
0x33: {  	[tilespmem:$0x5370] =	vst v0  }
0x34: {  	[tilespmem:$0x5380] =	vst v0  }
0x35: {  	[tilespmem:$0x5390] =	vst v0  }
0x36: {  	[tilespmem:$0x53A0] =	vst v0  }
0x37: {  	[tilespmem:$0x53B0] =	vst v0  }
0x38: {  	[tilespmem:$0x53C0] =	vst v0  }
0x39: {  	[tilespmem:$0x53D0] =	vst v0  }
0x3a: {  	[tilespmem:$0x53E0] =	vst v0  }
0x3b: {  	[tilespmem:$0x53F0] =	vst v0  }
0x3c: {  	[tilespmem:$0x5400] =	vst v0  }
0x3d: {  	[tilespmem:$0x5410] =	vst v0  }
0x3e: {  	[tilespmem:$0x5420] =	vst v0  }
0x3f: {  	[tilespmem:$0x5430] =	vst v0  }
0x40: {  	[tilespmem:$0x5440] =	vst v0  }
0x41: {  	[tilespmem:$0x5450] =	vst v0  }
0x42: {  	[tilespmem:$0x5460] =	vst v0  }
0x43: {  	[tilespmem:$0x5470] =	vst v0  }
0x44: {  	[tilespmem:$0x5480] =	vst v0  }
0x45: {  	[tilespmem:$0x5490] =	vst v0  }
0x46: {  	[tilespmem:$0x54A0] =	vst v0  }
0x47: {  	[tilespmem:$0x54B0] =	vst v0  }
0x48: {  	[tilespmem:$0x54C0] =	vst v0  }
0x49: {  	[tilespmem:$0x54D0] =	vst v0  }
0x4a: {  	[tilespmem:$0x54E0] =	vst v0  }
0x4b: {  	s15 =	simm.s32 $0x0;
	[tilespmem:$0x54F0] =	vst v0  }
.LBB2_6:
0x4c: {  	s16 =	sshrl.u32 s15, $0x3  }
0x4d: {  	s16 =	smul.u32 $0x50000, s16;
	_ =	sdelay $0x1  }
0x4e: {  	s17 =	sshll.u32 s15, $0x7;
	s16 =	sshra.s32 s16, $0x2  }
0x4f: {  	s17 =	sand.u32 $0x380, s17;
	s16 =	sadd.s32 s16, s5  }
0x50: {  	s16 =	sadd.s32 s17, s16  }
0x51: {  	[tilespmem:s12], [sflag:$0x1] =	stream.strided.gather [spmem:s16], $0x280, s9, s8, $0x38;
	[tilespmem:$0x7D00] =	vst v63  }
0x52: {  	_ =	swait.ge [sflag:s10], $0x280  }
0x53: {  	[sflag:s10] =	ssyncset.done $0x0  }
0x54: {  	s16 =	simm.s32 $0x0;
	[sflag:s10] =	ssyncadd.s32 $0xFFFFFD80  }
0x55: {  	s17 =	simm.s32 $0x40;
	v2 =	vld [tilespmem:s16+$0x5000]  }
.LBB2_7:
0x56: {  	p0 =	sne.s32 s17, $0x9C0;
	v3 =	vld [tilespmem:s16+$0x5280];
	_ =	sdelay $0x2  }
.Ltmp2:
0x57: {  	(pc) =	sbr.rel @p0 .LBB2_7-.Ltmp2, $4  }
0x58: {  	_ = 	snop  }
0x59: {  	v3 =	vadd.f32 v2, v3  }
0x5a: {  	s18 =	sshra.s32 s17, $0x2  }
0x5b: {  	s17 =	sadd.s32 $0x40, s17;
	v2 =	vld [tilespmem:s18+$0x5000];
	[tilespmem:s16+$0x5280] =	vst v3;
	s16 =	smov.u32 s18  }
0x5c: {  	v3 =	vld [tilespmem:s16+$0x5280]  }
0x5d: {  	s15 =	sadd.s32 $0x1, s15  }
0x5e: {  	p0 =	sne.s32 s15, $0x10  }
.Ltmp3:
0x5f: {  	_ = 	snop;
	(pc) =	sbr.rel @p0 .LBB2_6-.Ltmp3, $3  }
0x60: {  	_ = 	snop  }
0x61: {  	v2 =	vadd.f32 v2, v3;
	_ =	sdelay $0x1  }
0x62: {  	[tilespmem:s16+$0x5280] =	vst v2  }
0x63: {  	s2 =	sadd.s32 $0x1, s2  }
0x64: {  	p0 =	sne.s32 s2, s7  }
.Ltmp4:
0x65: {  	_ = 	snop;
	(pc) =	sbr.rel @p0 .LBB2_1-.Ltmp4, $4  }
0x66: {  	[hbm4b:s6+s8] =	stream.strided.scatter [tilespmem:s14], [sflag:$0x1], $0x280, s13, s8, $0x38;
	[tilespmem:$0x7D00] =	vst v63  }
0x67: {  	_ =	swait.ge [sflag:s10], $0x280  }
0x68: {  	[sflag:s10] =	ssyncset.done $0x0  }
0x69: {  	[sflag:s10] =	ssyncadd.s32 $0xFFFFFD80  }
0x6a: {  	_ =	sfence.sel $0x180000  }
0x6b: {  	[bflag:$0x0] =	sbarrier.arrive $0xFFFF  }
0x6c: {  	p0 =	sne.s32 s0, $0x0;
	_ =	strace $0x90000047  }
0x6d: {  	s0 =	sadd.s32 @!p0 $0x100000, s1;
	[bflag:$0x2] =	sbarrier.arrive $0xFFFF  }
0x6e: {  	[sflag:s0] =	ssyncadd.tile.s32 @!p0 $0x1;
	_ =	shalt  }
.Lfunc_end2:
_tile_overlayer_lowered:
.L_overlay_start_2:
0x6f: {  	(tag) =	ssettag $0x2  }
0x70: {  	s0 =	rddreg [dreg:$0x0];
	s2 =	stileid.u32  }
0x71: {  	s1 =	rddreg [dreg:$0x1];
	p0 =	sne.s32 s2, $0x0  }
0x72: {  	s3 =	rddreg [dreg:$0x2];
	[bflag:$0x3] =	sbarrier.arrive $0xFFFF;
	s2 =	simm.s32 @!p0 $0x1C01  }
0x73: {  	[timem:s3], [sflag:s2] =	dma.local @!p0 [hbm:s0], s1  }
0x74: {  	s0 =	simm.s32 @!p0 $0x1  }
0x75: {  	_ =	swait.ge @!p0 [sflag:s0], s1  }
0x76: {  	s1 =	ssub.s32 @!p0 $0x0, s1;
	[sflag:s0] =	ssyncset.done @!p0 $0x0  }
0x77: {  	[sflag:s0] =	ssyncadd.s32 @!p0 s1  }
0x78: {  	[bflag:$0x3] =	sbarrier.arrive $0xFFFF  }
0x79: {  	_ =	shalt  }

</sc_bundles>
